<compile_context>
chip_gen: v7x
topology: tpu7x:2x2x1
jax: 0.10.2.dev20260603
libtpu: 0.0.44.dev20260713+nightly
codegen_flags: <defaults>
</compile_context>

<pallas_src>
import functools

import jax
import jax.numpy as jnp
from jax import lax
from jax.experimental import pallas as pl
from jax.experimental.pallas import tpu as pltpu
from jax.experimental.pallas import tpu_sc as plsc

CAPACITY = 64
NUM_CLUSTERS = 64
REG = 0.1

_DN_STD = (((1,), (0,)), ((), ()))
_DN1 = (((1,), (1,)), ((), ()))



def _centers_g_body(table_ref, labels_ref, g_ref):
    rows, dim = table_ref.shape
    table = table_ref[...]
    lab_row = labels_ref[...]
    k_iota = lax.broadcasted_iota(jnp.int32, (NUM_CLUSTERS, rows), 0)
    onehot_t = (lab_row == k_iota).astype(jnp.float32)
    sums = lax.dot_general(onehot_t, table, _DN_STD,
                           preferred_element_type=jnp.float32)
    counts = jnp.sum(onehot_t, axis=1, keepdims=True)
    centers = sums / jnp.maximum(counts, 1.0)
    m = lax.dot_general(table, centers, _DN1,
                        preferred_element_type=jnp.float32)
    rowsq = jnp.sum(table * table, axis=1, keepdims=True)
    csq = lax.dot_general(jnp.ones((1, dim), jnp.float32), centers * centers,
                          _DN1,
                          preferred_element_type=jnp.float32,
                          precision=lax.Precision.HIGHEST)
    g = rowsq - 2.0 * m + csq
    g_ref[...] = jnp.concatenate(
        [g, jnp.zeros((rows, 128 - NUM_CLUSTERS), jnp.float32)], axis=1)


def _centers_g_tc(table2d, labels_row):
    rows = table2d.shape[0]
    return pl.pallas_call(
        _centers_g_body,
        out_shape=jax.ShapeDtypeStruct((rows, 128), jnp.float32),
    )(table2d, labels_row)



def _gather_d_sc(gflat, labels2d, rows):
    ncores, nsub, lanes = 2, 16, 16
    nw = ncores * nsub
    rows_per_w = rows // nw

    @functools.partial(
        pl.kernel,
        out_type=jax.ShapeDtypeStruct((2, rows), jnp.float32),
        mesh=plsc.VectorSubcoreMesh(core_axis_name="c", subcore_axis_name="s"),
        scratch_types=[
            pltpu.VMEM((rows_per_w,), jnp.int32),
            pltpu.VMEM((rows_per_w,), jnp.int32),
            pltpu.VMEM((rows_per_w,), jnp.float32),
            pltpu.VMEM((rows_per_w,), jnp.float32),
            pltpu.SemaphoreType.DMA,
        ],
    )
    def gather(gflat_hbm, labels_hbm, row_hbm, lab_v, idx_v, d_v, labf_v, sem):
        c = lax.axis_index("c")
        s = lax.axis_index("s")
        wid = s * ncores + c
        row0 = wid * rows_per_w
        pltpu.sync_copy(labels_hbm.at[wid], lab_v)
        iota = lax.iota(jnp.int32, lanes)
        for j in range(rows_per_w // lanes):
            lab16 = lab_v[pl.ds(j * lanes, lanes)]
            idx_v[pl.ds(j * lanes, lanes)] = (
                (row0 + j * lanes + iota) * 128 + lab16)
            labf_v[pl.ds(j * lanes, lanes)] = lab16.astype(jnp.float32)
        pltpu.async_copy(gflat_hbm.at[idx_v], d_v, sem).wait()
        pltpu.sync_copy(d_v, row_hbm.at[0, pl.ds(row0, rows_per_w)])
        pltpu.sync_copy(labf_v, row_hbm.at[1, pl.ds(row0, rows_per_w)])

    return gather(gflat, labels2d)



_BLK = 512


def _ranks_body(dr_ref, soft_ref, ridx_ref, scores_ref):
    i = pl.program_id(0)
    d_all = dr_ref[0:1, :]
    lab_all = dr_ref[1:2, :]
    rows = d_all.shape[1]
    mn = jnp.min(d_all)
    mx = jnp.max(d_all)
    s_all = (d_all - mn) / (mx - mn) + lab_all
    mn2 = jnp.min(s_all)
    mx2 = jnp.max(s_all)
    c = jnp.float32(0.5 / REG)
    z_all = (s_all - mn2) / (mx2 - mn2) * c
    dsl = dr_ref[0:1, pl.ds(i * _BLK, _BLK)]
    lsl = dr_ref[1:2, pl.ds(i * _BLK, _BLK)]
    s_blk = ((dsl - mn) / (mx - mn) + lsl).reshape(_BLK, 1)
    z_blk = ((s_blk - mn2) / (mx2 - mn2)) * c
    th = jnp.tanh(z_blk - z_all)
    tsum = jnp.sum(th, axis=1, keepdims=True)
    soft_ref[...] = 0.5 * tsum + jnp.float32(0.5 * rows + 0.5)
    j_iota = lax.broadcasted_iota(jnp.int32, (_BLK, rows), 1)
    i_idx = i * _BLK + lax.broadcasted_iota(jnp.int32, (_BLK, 1), 0)
    cond = (s_all < s_blk) | ((s_all == s_blk) & (j_iota < i_idx))
    cnt = jnp.sum(cond.astype(jnp.int32), axis=1, keepdims=True)
    ridx_ref[...] = cnt // CAPACITY + 1
    scores_ref[...] = s_blk


def _ranks_tc(drow2):
    rows = drow2.shape[1]
    grid = rows // _BLK
    return pl.pallas_call(
        _ranks_body,
        grid=(grid,),
        in_specs=[
            pl.BlockSpec((2, rows), lambda i: (0, 0)),
        ],
        out_specs=[
            pl.BlockSpec((_BLK, 1), lambda i: (i, 0)),
            pl.BlockSpec((_BLK, 1), lambda i: (i, 0)),
            pl.BlockSpec((_BLK, 1), lambda i: (i, 0)),
        ],
        out_shape=[
            jax.ShapeDtypeStruct((rows, 1), jnp.float32),
            jax.ShapeDtypeStruct((rows, 1), jnp.int32),
            jax.ShapeDtypeStruct((rows, 1), jnp.float32),
        ],
    )(drow2)


def kernel(table, labels):
    rows = table.shape[1]
    dim = table.shape[-1]
    table2d = table.reshape(rows, dim)
    g = _centers_g_tc(table2d, labels.reshape(1, rows))
    drow2 = _gather_d_sc(g.reshape(rows * 128),
                         labels.reshape(rows // 128, 128), rows)
    soft, ridx, scores = _ranks_tc(drow2)
    return (soft.reshape(1, rows, 1),
            ridx.reshape(1, rows, 1),
            scores.reshape(1, rows, 1))

# --- scband reference (transcript-rebuilt; emitter-appended) ---
"""Pipeline reference for scband-ranking-model-v3-25237227831809 (READ-ONLY COPY).

The authoritative reference and input builder live on the scoring server;
editing this copy changes nothing except your own understanding.
"""

import jax, jax.numpy as jnp
import numpy as np

CAPACITY = 64       # BlockSize
NUM_CLUSTERS = 64   # number of cluster labels (replaces sklearn AgglomerativeClustering)
REG = 0.1           # torchsort soft_rank l2 regularization_strength


def setup_inputs(seed: int = 0) -> dict:
    key = jax.random.key(seed)
    k1, k2 = jax.random.split(key)
    table = jax.random.normal(k1, (1, 4096, 512), dtype=jnp.float32)
    labels = jax.random.randint(k2, (4096,), 0, NUM_CLUSTERS, dtype=jnp.int32)
    return {"table": table, "labels": labels}


def _soft_rank(s):
    # Differentiable soft rank approximating torchsort.soft_rank(l2, reg=0.1):
    # r_i = 0.5 + sum_j sigmoid((s_i - s_j)/reg); for well-separated scores this
    # converges to the hard 1-indexed rank, matching soft_rank's limit.
    diff = (s[:, :, None] - s[:, None, :]) / REG
    return 0.5 + jnp.sum(jax.nn.sigmoid(diff), axis=-1)


def _clustering(table, labels):
    # Cluster labels are supplied as an input (the original used sklearn
    # AgglomerativeClustering on detached data, i.e. non-differentiable constants).
    B, rows, D = table.shape
    ones = jnp.ones((rows,), dtype=table.dtype)
    counts = jax.ops.segment_sum(ones, labels, num_segments=NUM_CLUSTERS)
    sums = jax.vmap(lambda t: jax.ops.segment_sum(t, labels, num_segments=NUM_CLUSTERS))(table)
    centers = sums / jnp.clip(counts, 1.0)[None, :, None]          # [B, K, D]
    center_data = jnp.take(centers, labels, axis=1)                # gather [B, rows, D]
    distances = jnp.mean(jnp.square(table - center_data), axis=-1) # [B, rows]
    mn = jnp.min(distances, axis=1, keepdims=True)
    mx = jnp.max(distances, axis=1, keepdims=True)
    distances = (distances - mn) / (mx - mn) * 1.0
    scores = distances + labels[None, :].astype(table.dtype)
    return scores


def reference(table, labels):
    rows = table.shape[1]
    table = table.reshape(-1, rows, table.shape[-1])
    B = table.shape[0]
    scores = _clustering(table, labels)                            # [B, rows]
    mn = jnp.min(scores, axis=1, keepdims=True)
    mx = jnp.max(scores, axis=1, keepdims=True)
    scaled_scores = (scores - mn) / (mx - mn) * B
    original_ranks = _soft_rank(scaled_scores)                     # [B, rows]
    sorted_indices = jnp.argsort(scores, axis=1)
    # inverse permutation == rank of each element (same as the torch scatter loop)
    rank_indices = jnp.argsort(sorted_indices, axis=1)
    rank_indices = rank_indices // CAPACITY + 1
    return (original_ranks.reshape(-1, rows, 1),
            rank_indices.reshape(-1, rows, 1),
            scores.reshape(-1, rows, 1))

if __name__ == "__main__":
    import jax
    _d = setup_inputs()
    print(jax.jit(kernel)(*tuple(_d.values())))

</pallas_src>

<mosaic_0001>
#map = affine_map<(d0, d1) -> (0)>
#map1 = affine_map<(d0, d1) -> (0, 0)>
module attributes {stable_mosaic.version = 14 : i64} {
  func.func @gather(%arg0: i32, %arg1: i32, %arg2: memref<524288xf32, #tpu.memory_space<hbm>>, %arg3: memref<32x128xi32, #tpu.memory_space<hbm>>, %arg4: memref<2x4096xf32, #tpu.memory_space<hbm>>, %arg5: memref<128xi32, #tpu.memory_space<vmem>>, %arg6: memref<128xi32, #tpu.memory_space<vmem>>, %arg7: memref<128xf32, #tpu.memory_space<vmem>>, %arg8: memref<128xf32, #tpu.memory_space<vmem>>, %arg9: memref<!tpu.dma_semaphore, #tpu.memory_space<semaphore_mem>>) attributes {dimension_semantics = [#tpu.dimension_semantics<core_parallel>, #tpu.dimension_semantics<subcore_parallel>], iteration_bounds = array<i64: 2, 16>, scalar_prefetch = 0 : i64, scratch_operands = 5 : i64, tpu.core_type = #tpu.core_type<sc_vector_subcore>, window_params = [{transform_indices = #map}, {transform_indices = #map1}, {transform_indices = #map1}]} {
    %mul3A = arith.constant 2 : i32
    %mul3A_0 = arith.muli %arg1, %mul3A : i32
    %add3A = arith.addi %mul3A_0, %arg0 : i32
    %mul3A_1 = arith.constant 128 : i32
    %mul3A_2 = arith.muli %add3A, %mul3A_1 : i32
    "tpu.region"() ({
      %run_scoped3A_163 = tpu.sem_alloc : memref<!tpu.dma_semaphore, #tpu.memory_space<semaphore_mem>>
      %dma_start3A_164 = arith.constant 0 : i32
      %dma_start3A_165 = tpu.memref_slice %arg3[%add3A, %dma_start3A_164] : memref<32x128xi32, #tpu.memory_space<hbm>> -> memref<1x128xi32, #tpu.memory_space<hbm>>
      %dma_start3A_166 = tpu.memref_squeeze %dma_start3A_165 : memref<1x128xi32, #tpu.memory_space<hbm>> -> memref<128xi32, #tpu.memory_space<hbm>>
      %dma_start3A_167 = arith.constant 0 : i32
      %dma_start3A_168 = tpu.memref_slice %arg3[%add3A, %dma_start3A_167] : memref<32x128xi32, #tpu.memory_space<hbm>> -> memref<1x128xi32, #tpu.memory_space<hbm>>
      %dma_start3A_169 = tpu.memref_squeeze %dma_start3A_168 : memref<1x128xi32, #tpu.memory_space<hbm>> -> memref<128xi32, #tpu.memory_space<hbm>>
      tpu.enqueue_dma source(%dma_start3A_169 : memref<128xi32, #tpu.memory_space<hbm>>) target(%arg5 : memref<128xi32, #tpu.memory_space<vmem>>) target_semaphore(%run_scoped3A_163 : memref<!tpu.dma_semaphore, #tpu.memory_space<semaphore_mem>>)
      %dma_wait3A_170 = arith.constant 0 : i32
      %dma_wait3A_171 = tpu.memref_slice %arg3[%add3A, %dma_wait3A_170] : memref<32x128xi32, #tpu.memory_space<hbm>> -> memref<1x128xi32, #tpu.memory_space<hbm>>
      %dma_wait3A_172 = tpu.memref_squeeze %dma_wait3A_171 : memref<1x128xi32, #tpu.memory_space<hbm>> -> memref<128xi32, #tpu.memory_space<hbm>>
      %dma_wait3A_173 = arith.constant 0 : i32
      %dma_wait3A_174 = tpu.memref_slice %arg3[%add3A, %dma_wait3A_173] : memref<32x128xi32, #tpu.memory_space<hbm>> -> memref<1x128xi32, #tpu.memory_space<hbm>>
      %dma_wait3A_175 = tpu.memref_squeeze %dma_wait3A_174 : memref<1x128xi32, #tpu.memory_space<hbm>> -> memref<128xi32, #tpu.memory_space<hbm>>
      tpu.wait_dma2 semaphore(%run_scoped3A_163 : memref<!tpu.dma_semaphore, #tpu.memory_space<semaphore_mem>>) src(%dma_wait3A_175 : memref<128xi32, #tpu.memory_space<hbm>>) dst(%arg5 : memref<128xi32, #tpu.memory_space<vmem>>)
      tpu.yield
    }) : () -> ()
    %iota3A = tpu.iota {dimensions = array<i32: 0>} : vector<16xi32>
    %get3A = arith.constant 0 : index
    %get3A_3 = tpu.vector_load %arg5[%get3A] {strides = array<i32>} : memref<128xi32, #tpu.memory_space<vmem>>, vector<16xi32>,
    %get3A_4 = vector.shape_cast %get3A_3 : vector<16xi32> to vector<16xi32>
    %add3A_5 = arith.constant 0 : i32
    %add3A_6 = arith.addi %mul3A_2, %add3A_5 : i32
    %add3A_7 = vector.broadcast %add3A_6 : i32 to vector<16xi32>
    %add3A_8 = arith.addi %add3A_7, %iota3A : vector<16xi32>
    %mul3A_9 = arith.constant 128 : i32
    %mul3A_10 = vector.broadcast %mul3A_9 : i32 to vector<16xi32>
    %mul3A_11 = arith.muli %add3A_8, %mul3A_10 : vector<16xi32>
    %add3A_12 = arith.addi %mul3A_11, %get3A_4 : vector<16xi32>
    %swap3A = arith.constant 0 : index
    %swap3A_13 = tpu.vector_load %arg6[%swap3A] {strides = array<i32>} : memref<128xi32, #tpu.memory_space<vmem>>, vector<16xi32>,
    %swap3A_14 = vector.shape_cast %swap3A_13 : vector<16xi32> to vector<16xi32>
    %swap3A_15 = vector.shape_cast %add3A_12 : vector<16xi32> to vector<16xi32>
    tpu.vector_store %arg6[%swap3A], %swap3A_15 {strides = array<i32>} : memref<128xi32, #tpu.memory_space<vmem>>, vector<16xi32>,
    %convert_element_type3A = arith.sitofp %get3A_4 : vector<16xi32> to vector<16xf32>
    %swap3A_16 = arith.constant 0 : index
    %swap3A_17 = tpu.vector_load %arg8[%swap3A_16] {strides = array<i32>} : memref<128xf32, #tpu.memory_space<vmem>>, vector<16xf32>,
    %swap3A_18 = vector.shape_cast %swap3A_17 : vector<16xf32> to vector<16xf32>
    %swap3A_19 = vector.shape_cast %convert_element_type3A : vector<16xf32> to vector<16xf32>
    tpu.vector_store %arg8[%swap3A_16], %swap3A_19 {strides = array<i32>} : memref<128xf32, #tpu.memory_space<vmem>>, vector<16xf32>,
    %get3A_20 = arith.constant 16 : index
    %get3A_21 = tpu.vector_load %arg5[%get3A_20] {strides = array<i32>} : memref<128xi32, #tpu.memory_space<vmem>>, vector<16xi32>,
    %get3A_22 = vector.shape_cast %get3A_21 : vector<16xi32> to vector<16xi32>
    %add3A_23 = arith.constant 16 : i32
    %add3A_24 = arith.addi %mul3A_2, %add3A_23 : i32
    %add3A_25 = vector.broadcast %add3A_24 : i32 to vector<16xi32>
    %add3A_26 = arith.addi %add3A_25, %iota3A : vector<16xi32>
    %mul3A_27 = arith.constant 128 : i32
    %mul3A_28 = vector.broadcast %mul3A_27 : i32 to vector<16xi32>
    %mul3A_29 = arith.muli %add3A_26, %mul3A_28 : vector<16xi32>
    %add3A_30 = arith.addi %mul3A_29, %get3A_22 : vector<16xi32>
    %swap3A_31 = arith.constant 16 : index
    %swap3A_32 = tpu.vector_load %arg6[%swap3A_31] {strides = array<i32>} : memref<128xi32, #tpu.memory_space<vmem>>, vector<16xi32>,
    %swap3A_33 = vector.shape_cast %swap3A_32 : vector<16xi32> to vector<16xi32>
    %swap3A_34 = vector.shape_cast %add3A_30 : vector<16xi32> to vector<16xi32>
    tpu.vector_store %arg6[%swap3A_31], %swap3A_34 {strides = array<i32>} : memref<128xi32, #tpu.memory_space<vmem>>, vector<16xi32>,
    %convert_element_type3A_35 = arith.sitofp %get3A_22 : vector<16xi32> to vector<16xf32>
    %swap3A_36 = arith.constant 16 : index
    %swap3A_37 = tpu.vector_load %arg8[%swap3A_36] {strides = array<i32>} : memref<128xf32, #tpu.memory_space<vmem>>, vector<16xf32>,
    %swap3A_38 = vector.shape_cast %swap3A_37 : vector<16xf32> to vector<16xf32>
    %swap3A_39 = vector.shape_cast %convert_element_type3A_35 : vector<16xf32> to vector<16xf32>
    tpu.vector_store %arg8[%swap3A_36], %swap3A_39 {strides = array<i32>} : memref<128xf32, #tpu.memory_space<vmem>>, vector<16xf32>,
    %get3A_40 = arith.constant 32 : index
    %get3A_41 = tpu.vector_load %arg5[%get3A_40] {strides = array<i32>} : memref<128xi32, #tpu.memory_space<vmem>>, vector<16xi32>,
    %get3A_42 = vector.shape_cast %get3A_41 : vector<16xi32> to vector<16xi32>
    %add3A_43 = arith.constant 32 : i32
    %add3A_44 = arith.addi %mul3A_2, %add3A_43 : i32
    %add3A_45 = vector.broadcast %add3A_44 : i32 to vector<16xi32>
    %add3A_46 = arith.addi %add3A_45, %iota3A : vector<16xi32>
    %mul3A_47 = arith.constant 128 : i32
    %mul3A_48 = vector.broadcast %mul3A_47 : i32 to vector<16xi32>
    %mul3A_49 = arith.muli %add3A_46, %mul3A_48 : vector<16xi32>
    %add3A_50 = arith.addi %mul3A_49, %get3A_42 : vector<16xi32>
    %swap3A_51 = arith.constant 32 : index
    %swap3A_52 = tpu.vector_load %arg6[%swap3A_51] {strides = array<i32>} : memref<128xi32, #tpu.memory_space<vmem>>, vector<16xi32>,
    %swap3A_53 = vector.shape_cast %swap3A_52 : vector<16xi32> to vector<16xi32>
    %swap3A_54 = vector.shape_cast %add3A_50 : vector<16xi32> to vector<16xi32>
    tpu.vector_store %arg6[%swap3A_51], %swap3A_54 {strides = array<i32>} : memref<128xi32, #tpu.memory_space<vmem>>, vector<16xi32>,
    %convert_element_type3A_55 = arith.sitofp %get3A_42 : vector<16xi32> to vector<16xf32>
    %swap3A_56 = arith.constant 32 : index
    %swap3A_57 = tpu.vector_load %arg8[%swap3A_56] {strides = array<i32>} : memref<128xf32, #tpu.memory_space<vmem>>, vector<16xf32>,
    %swap3A_58 = vector.shape_cast %swap3A_57 : vector<16xf32> to vector<16xf32>
    %swap3A_59 = vector.shape_cast %convert_element_type3A_55 : vector<16xf32> to vector<16xf32>
    tpu.vector_store %arg8[%swap3A_56], %swap3A_59 {strides = array<i32>} : memref<128xf32, #tpu.memory_space<vmem>>, vector<16xf32>,
    %get3A_60 = arith.constant 48 : index
    %get3A_61 = tpu.vector_load %arg5[%get3A_60] {strides = array<i32>} : memref<128xi32, #tpu.memory_space<vmem>>, vector<16xi32>,
    %get3A_62 = vector.shape_cast %get3A_61 : vector<16xi32> to vector<16xi32>
    %add3A_63 = arith.constant 48 : i32
    %add3A_64 = arith.addi %mul3A_2, %add3A_63 : i32
    %add3A_65 = vector.broadcast %add3A_64 : i32 to vector<16xi32>
    %add3A_66 = arith.addi %add3A_65, %iota3A : vector<16xi32>
    %mul3A_67 = arith.constant 128 : i32
    %mul3A_68 = vector.broadcast %mul3A_67 : i32 to vector<16xi32>
    %mul3A_69 = arith.muli %add3A_66, %mul3A_68 : vector<16xi32>
    %add3A_70 = arith.addi %mul3A_69, %get3A_62 : vector<16xi32>
    %swap3A_71 = arith.constant 48 : index
    %swap3A_72 = tpu.vector_load %arg6[%swap3A_71] {strides = array<i32>} : memref<128xi32, #tpu.memory_space<vmem>>, vector<16xi32>,
    %swap3A_73 = vector.shape_cast %swap3A_72 : vector<16xi32> to vector<16xi32>
    %swap3A_74 = vector.shape_cast %add3A_70 : vector<16xi32> to vector<16xi32>
    tpu.vector_store %arg6[%swap3A_71], %swap3A_74 {strides = array<i32>} : memref<128xi32, #tpu.memory_space<vmem>>, vector<16xi32>,
    %convert_element_type3A_75 = arith.sitofp %get3A_62 : vector<16xi32> to vector<16xf32>
    %swap3A_76 = arith.constant 48 : index
    %swap3A_77 = tpu.vector_load %arg8[%swap3A_76] {strides = array<i32>} : memref<128xf32, #tpu.memory_space<vmem>>, vector<16xf32>,
    %swap3A_78 = vector.shape_cast %swap3A_77 : vector<16xf32> to vector<16xf32>
    %swap3A_79 = vector.shape_cast %convert_element_type3A_75 : vector<16xf32> to vector<16xf32>
    tpu.vector_store %arg8[%swap3A_76], %swap3A_79 {strides = array<i32>} : memref<128xf32, #tpu.memory_space<vmem>>, vector<16xf32>,
    %get3A_80 = arith.constant 64 : index
    %get3A_81 = tpu.vector_load %arg5[%get3A_80] {strides = array<i32>} : memref<128xi32, #tpu.memory_space<vmem>>, vector<16xi32>,
    %get3A_82 = vector.shape_cast %get3A_81 : vector<16xi32> to vector<16xi32>
    %add3A_83 = arith.constant 64 : i32
    %add3A_84 = arith.addi %mul3A_2, %add3A_83 : i32
    %add3A_85 = vector.broadcast %add3A_84 : i32 to vector<16xi32>
    %add3A_86 = arith.addi %add3A_85, %iota3A : vector<16xi32>
    %mul3A_87 = arith.constant 128 : i32
    %mul3A_88 = vector.broadcast %mul3A_87 : i32 to vector<16xi32>
    %mul3A_89 = arith.muli %add3A_86, %mul3A_88 : vector<16xi32>
    %add3A_90 = arith.addi %mul3A_89, %get3A_82 : vector<16xi32>
    %swap3A_91 = arith.constant 64 : index
    %swap3A_92 = tpu.vector_load %arg6[%swap3A_91] {strides = array<i32>} : memref<128xi32, #tpu.memory_space<vmem>>, vector<16xi32>,
    %swap3A_93 = vector.shape_cast %swap3A_92 : vector<16xi32> to vector<16xi32>
    %swap3A_94 = vector.shape_cast %add3A_90 : vector<16xi32> to vector<16xi32>
    tpu.vector_store %arg6[%swap3A_91], %swap3A_94 {strides = array<i32>} : memref<128xi32, #tpu.memory_space<vmem>>, vector<16xi32>,
    %convert_element_type3A_95 = arith.sitofp %get3A_82 : vector<16xi32> to vector<16xf32>
    %swap3A_96 = arith.constant 64 : index
    %swap3A_97 = tpu.vector_load %arg8[%swap3A_96] {strides = array<i32>} : memref<128xf32, #tpu.memory_space<vmem>>, vector<16xf32>,
    %swap3A_98 = vector.shape_cast %swap3A_97 : vector<16xf32> to vector<16xf32>
    %swap3A_99 = vector.shape_cast %convert_element_type3A_95 : vector<16xf32> to vector<16xf32>
    tpu.vector_store %arg8[%swap3A_96], %swap3A_99 {strides = array<i32>} : memref<128xf32, #tpu.memory_space<vmem>>, vector<16xf32>,
    %get3A_100 = arith.constant 80 : index
    %get3A_101 = tpu.vector_load %arg5[%get3A_100] {strides = array<i32>} : memref<128xi32, #tpu.memory_space<vmem>>, vector<16xi32>,
    %get3A_102 = vector.shape_cast %get3A_101 : vector<16xi32> to vector<16xi32>
    %add3A_103 = arith.constant 80 : i32
    %add3A_104 = arith.addi %mul3A_2, %add3A_103 : i32
    %add3A_105 = vector.broadcast %add3A_104 : i32 to vector<16xi32>
    %add3A_106 = arith.addi %add3A_105, %iota3A : vector<16xi32>
    %mul3A_107 = arith.constant 128 : i32
    %mul3A_108 = vector.broadcast %mul3A_107 : i32 to vector<16xi32>
    %mul3A_109 = arith.muli %add3A_106, %mul3A_108 : vector<16xi32>
    %add3A_110 = arith.addi %mul3A_109, %get3A_102 : vector<16xi32>
    %swap3A_111 = arith.constant 80 : index
    %swap3A_112 = tpu.vector_load %arg6[%swap3A_111] {strides = array<i32>} : memref<128xi32, #tpu.memory_space<vmem>>, vector<16xi32>,
    %swap3A_113 = vector.shape_cast %swap3A_112 : vector<16xi32> to vector<16xi32>
    %swap3A_114 = vector.shape_cast %add3A_110 : vector<16xi32> to vector<16xi32>
    tpu.vector_store %arg6[%swap3A_111], %swap3A_114 {strides = array<i32>} : memref<128xi32, #tpu.memory_space<vmem>>, vector<16xi32>,
    %convert_element_type3A_115 = arith.sitofp %get3A_102 : vector<16xi32> to vector<16xf32>
    %swap3A_116 = arith.constant 80 : index
    %swap3A_117 = tpu.vector_load %arg8[%swap3A_116] {strides = array<i32>} : memref<128xf32, #tpu.memory_space<vmem>>, vector<16xf32>,
    %swap3A_118 = vector.shape_cast %swap3A_117 : vector<16xf32> to vector<16xf32>
    %swap3A_119 = vector.shape_cast %convert_element_type3A_115 : vector<16xf32> to vector<16xf32>
    tpu.vector_store %arg8[%swap3A_116], %swap3A_119 {strides = array<i32>} : memref<128xf32, #tpu.memory_space<vmem>>, vector<16xf32>,
    %get3A_120 = arith.constant 96 : index
    %get3A_121 = tpu.vector_load %arg5[%get3A_120] {strides = array<i32>} : memref<128xi32, #tpu.memory_space<vmem>>, vector<16xi32>,
    %get3A_122 = vector.shape_cast %get3A_121 : vector<16xi32> to vector<16xi32>
    %add3A_123 = arith.constant 96 : i32
    %add3A_124 = arith.addi %mul3A_2, %add3A_123 : i32
    %add3A_125 = vector.broadcast %add3A_124 : i32 to vector<16xi32>
    %add3A_126 = arith.addi %add3A_125, %iota3A : vector<16xi32>
    %mul3A_127 = arith.constant 128 : i32
    %mul3A_128 = vector.broadcast %mul3A_127 : i32 to vector<16xi32>
    %mul3A_129 = arith.muli %add3A_126, %mul3A_128 : vector<16xi32>
    %add3A_130 = arith.addi %mul3A_129, %get3A_122 : vector<16xi32>
    %swap3A_131 = arith.constant 96 : index
    %swap3A_132 = tpu.vector_load %arg6[%swap3A_131] {strides = array<i32>} : memref<128xi32, #tpu.memory_space<vmem>>, vector<16xi32>,
    %swap3A_133 = vector.shape_cast %swap3A_132 : vector<16xi32> to vector<16xi32>
    %swap3A_134 = vector.shape_cast %add3A_130 : vector<16xi32> to vector<16xi32>
    tpu.vector_store %arg6[%swap3A_131], %swap3A_134 {strides = array<i32>} : memref<128xi32, #tpu.memory_space<vmem>>, vector<16xi32>,
    %convert_element_type3A_135 = arith.sitofp %get3A_122 : vector<16xi32> to vector<16xf32>
    %swap3A_136 = arith.constant 96 : index
    %swap3A_137 = tpu.vector_load %arg8[%swap3A_136] {strides = array<i32>} : memref<128xf32, #tpu.memory_space<vmem>>, vector<16xf32>,
    %swap3A_138 = vector.shape_cast %swap3A_137 : vector<16xf32> to vector<16xf32>
    %swap3A_139 = vector.shape_cast %convert_element_type3A_135 : vector<16xf32> to vector<16xf32>
    tpu.vector_store %arg8[%swap3A_136], %swap3A_139 {strides = array<i32>} : memref<128xf32, #tpu.memory_space<vmem>>, vector<16xf32>,
    %get3A_140 = arith.constant 112 : index
    %get3A_141 = tpu.vector_load %arg5[%get3A_140] {strides = array<i32>} : memref<128xi32, #tpu.memory_space<vmem>>, vector<16xi32>,
    %get3A_142 = vector.shape_cast %get3A_141 : vector<16xi32> to vector<16xi32>
    %add3A_143 = arith.constant 112 : i32
    %add3A_144 = arith.addi %mul3A_2, %add3A_143 : i32
    %add3A_145 = vector.broadcast %add3A_144 : i32 to vector<16xi32>
    %add3A_146 = arith.addi %add3A_145, %iota3A : vector<16xi32>
    %mul3A_147 = arith.constant 128 : i32
    %mul3A_148 = vector.broadcast %mul3A_147 : i32 to vector<16xi32>
    %mul3A_149 = arith.muli %add3A_146, %mul3A_148 : vector<16xi32>
    %add3A_150 = arith.addi %mul3A_149, %get3A_142 : vector<16xi32>
    %swap3A_151 = arith.constant 112 : index
    %swap3A_152 = tpu.vector_load %arg6[%swap3A_151] {strides = array<i32>} : memref<128xi32, #tpu.memory_space<vmem>>, vector<16xi32>,
    %swap3A_153 = vector.shape_cast %swap3A_152 : vector<16xi32> to vector<16xi32>
    %swap3A_154 = vector.shape_cast %add3A_150 : vector<16xi32> to vector<16xi32>
    tpu.vector_store %arg6[%swap3A_151], %swap3A_154 {strides = array<i32>} : memref<128xi32, #tpu.memory_space<vmem>>, vector<16xi32>,
    %convert_element_type3A_155 = arith.sitofp %get3A_142 : vector<16xi32> to vector<16xf32>
    %swap3A_156 = arith.constant 112 : index
    %swap3A_157 = tpu.vector_load %arg8[%swap3A_156] {strides = array<i32>} : memref<128xf32, #tpu.memory_space<vmem>>, vector<16xf32>,
    %swap3A_158 = vector.shape_cast %swap3A_157 : vector<16xf32> to vector<16xf32>
    %swap3A_159 = vector.shape_cast %convert_element_type3A_155 : vector<16xf32> to vector<16xf32>
    tpu.vector_store %arg8[%swap3A_156], %swap3A_159 {strides = array<i32>} : memref<128xf32, #tpu.memory_space<vmem>>, vector<16xf32>,
    %dma_start3A = arith.constant 0 : i32
    %dma_start3A_160 = tpu.memref_slice %arg2[%dma_start3A] : memref<524288xf32, #tpu.memory_space<hbm>> -> memref<524288xf32, #tpu.memory_space<hbm>>
    tpu.enqueue_indirect_dma source(%dma_start3A_160 : memref<524288xf32, #tpu.memory_space<hbm>>) target(%arg7 : memref<128xf32, #tpu.memory_space<vmem>>) offsets(%arg6 : memref<128xi32, #tpu.memory_space<vmem>>) semaphore(%arg9 : memref<!tpu.dma_semaphore, #tpu.memory_space<semaphore_mem>>)
    %dma_wait3A = arith.constant 0 : i32
    %dma_wait3A_161 = tpu.memref_slice %arg2[%dma_wait3A] : memref<524288xf32, #tpu.memory_space<hbm>> -> memref<524288xf32, #tpu.memory_space<hbm>>
    tpu.wait_indirect_dma semaphore(%arg9 : memref<!tpu.dma_semaphore, #tpu.memory_space<semaphore_mem>>) src(%dma_wait3A_161 : memref<524288xf32, #tpu.memory_space<hbm>>) dst(%arg7 : memref<128xf32, #tpu.memory_space<vmem>>)
    %run_scoped3A = arith.constant 0 : i32
    "tpu.region"() ({
      %run_scoped3A_163 = tpu.sem_alloc : memref<!tpu.dma_semaphore, #tpu.memory_space<semaphore_mem>>
      %dma_start3A_164 = tpu.memref_slice %arg4[%run_scoped3A, %mul3A_2] : memref<2x4096xf32, #tpu.memory_space<hbm>> -> memref<1x128xf32, #tpu.memory_space<hbm>>
      %dma_start3A_165 = tpu.memref_squeeze %dma_start3A_164 : memref<1x128xf32, #tpu.memory_space<hbm>> -> memref<128xf32, #tpu.memory_space<hbm>>
      %dma_start3A_166 = tpu.memref_slice %arg4[%run_scoped3A, %mul3A_2] : memref<2x4096xf32, #tpu.memory_space<hbm>> -> memref<1x128xf32, #tpu.memory_space<hbm>>
      %dma_start3A_167 = tpu.memref_squeeze %dma_start3A_166 : memref<1x128xf32, #tpu.memory_space<hbm>> -> memref<128xf32, #tpu.memory_space<hbm>>
      tpu.enqueue_dma source(%arg7 : memref<128xf32, #tpu.memory_space<vmem>>) target(%dma_start3A_167 : memref<128xf32, #tpu.memory_space<hbm>>) target_semaphore(%run_scoped3A_163 : memref<!tpu.dma_semaphore, #tpu.memory_space<semaphore_mem>>)
      %dma_wait3A_168 = tpu.memref_slice %arg4[%run_scoped3A, %mul3A_2] : memref<2x4096xf32, #tpu.memory_space<hbm>> -> memref<1x128xf32, #tpu.memory_space<hbm>>
      %dma_wait3A_169 = tpu.memref_squeeze %dma_wait3A_168 : memref<1x128xf32, #tpu.memory_space<hbm>> -> memref<128xf32, #tpu.memory_space<hbm>>
      %dma_wait3A_170 = tpu.memref_slice %arg4[%run_scoped3A, %mul3A_2] : memref<2x4096xf32, #tpu.memory_space<hbm>> -> memref<1x128xf32, #tpu.memory_space<hbm>>
      %dma_wait3A_171 = tpu.memref_squeeze %dma_wait3A_170 : memref<1x128xf32, #tpu.memory_space<hbm>> -> memref<128xf32, #tpu.memory_space<hbm>>
      tpu.wait_dma2 semaphore(%run_scoped3A_163 : memref<!tpu.dma_semaphore, #tpu.memory_space<semaphore_mem>>) src(%arg7 : memref<128xf32, #tpu.memory_space<vmem>>) dst(%dma_wait3A_171 : memref<128xf32, #tpu.memory_space<hbm>>)
      tpu.yield
    }) : () -> ()
    %run_scoped3A_162 = arith.constant 1 : i32
    "tpu.region"() ({
      %run_scoped3A_163 = tpu.sem_alloc : memref<!tpu.dma_semaphore, #tpu.memory_space<semaphore_mem>>
      %dma_start3A_164 = tpu.memref_slice %arg4[%run_scoped3A_162, %mul3A_2] : memref<2x4096xf32, #tpu.memory_space<hbm>> -> memref<1x128xf32, #tpu.memory_space<hbm>>
      %dma_start3A_165 = tpu.memref_squeeze %dma_start3A_164 : memref<1x128xf32, #tpu.memory_space<hbm>> -> memref<128xf32, #tpu.memory_space<hbm>>
      %dma_start3A_166 = tpu.memref_slice %arg4[%run_scoped3A_162, %mul3A_2] : memref<2x4096xf32, #tpu.memory_space<hbm>> -> memref<1x128xf32, #tpu.memory_space<hbm>>
      %dma_start3A_167 = tpu.memref_squeeze %dma_start3A_166 : memref<1x128xf32, #tpu.memory_space<hbm>> -> memref<128xf32, #tpu.memory_space<hbm>>
      tpu.enqueue_dma source(%arg8 : memref<128xf32, #tpu.memory_space<vmem>>) target(%dma_start3A_167 : memref<128xf32, #tpu.memory_space<hbm>>) target_semaphore(%run_scoped3A_163 : memref<!tpu.dma_semaphore, #tpu.memory_space<semaphore_mem>>)
      %dma_wait3A_168 = tpu.memref_slice %arg4[%run_scoped3A_162, %mul3A_2] : memref<2x4096xf32, #tpu.memory_space<hbm>> -> memref<1x128xf32, #tpu.memory_space<hbm>>
      %dma_wait3A_169 = tpu.memref_squeeze %dma_wait3A_168 : memref<1x128xf32, #tpu.memory_space<hbm>> -> memref<128xf32, #tpu.memory_space<hbm>>
      %dma_wait3A_170 = tpu.memref_slice %arg4[%run_scoped3A_162, %mul3A_2] : memref<2x4096xf32, #tpu.memory_space<hbm>> -> memref<1x128xf32, #tpu.memory_space<hbm>>
      %dma_wait3A_171 = tpu.memref_squeeze %dma_wait3A_170 : memref<1x128xf32, #tpu.memory_space<hbm>> -> memref<128xf32, #tpu.memory_space<hbm>>
      tpu.wait_dma2 semaphore(%run_scoped3A_163 : memref<!tpu.dma_semaphore, #tpu.memory_space<semaphore_mem>>) src(%arg8 : memref<128xf32, #tpu.memory_space<vmem>>) dst(%dma_wait3A_171 : memref<128xf32, #tpu.memory_space<hbm>>)
      tpu.yield
    }) : () -> ()
    return
  }
}

module attributes {stable_mosaic.version = 14 : i64} {
  func.func @_ranks_body(%arg0: i32, %arg1: memref<2x4096xf32, #tpu.memory_space<vmem>>, %arg2: memref<512x1xf32, #tpu.memory_space<vmem>>, %arg3: memref<512x1xi32, #tpu.memory_space<vmem>>, %arg4: memref<512x1xf32, #tpu.memory_space<vmem>>) attributes {dimension_semantics = [#tpu.dimension_semantics<arbitrary>], iteration_bounds = array<i64: 8>, scalar_prefetch = 0 : i64, scratch_operands = 0 : i64, tpu.core_type = #tpu.core_type<tc>, window_params = [{pipeline_mode = #tpu.pipeline_mode<synchronous>, transform_indices = @transform_0, window_bounds = array<i64: 2, 4096>}, {transform_indices = @transform_1, window_bounds = array<i64: 512, 1>}, {transform_indices = @transform_2, window_bounds = array<i64: 512, 1>}, {transform_indices = @transform_3, window_bounds = array<i64: 512, 1>}]} {
    %get3A = arith.constant 0 : index
    %get3A_0 = arith.constant 0 : index
    %get3A_1 = vector.load %arg1[%get3A, %get3A_0] : memref<2x4096xf32, #tpu.memory_space<vmem>>, vector<1x4096xf32>
    %get3A_2 = arith.constant 1 : index
    %get3A_3 = arith.constant 0 : index
    %get3A_4 = vector.load %arg1[%get3A_2, %get3A_3] : memref<2x4096xf32, #tpu.memory_space<vmem>>, vector<1x4096xf32>
    %reduce_min3A = vector.shape_cast %get3A_1 : vector<1x4096xf32> to vector<1x1x4096xf32>
    %reduce_min3A_5 = arith.constant dense<0x7F800000> : vector<1xf32>
    %reduce_min3A_6 = vector.multi_reduction <minimumf>, %reduce_min3A, %reduce_min3A_5 [1, 2] : vector<1x1x4096xf32> to vector<1xf32>
    %reduce_min3A_7 = vector.shape_cast %reduce_min3A_6 : vector<1xf32> to vector<1x1x1xf32>
    %reduce_min3A_8 = vector.extract %reduce_min3A_7[0, 0, 0] : f32 from vector<1x1x1xf32>
    %reduce_max3A = vector.shape_cast %get3A_1 : vector<1x4096xf32> to vector<1x1x4096xf32>
    %reduce_max3A_9 = arith.constant dense<0xFF800000> : vector<1xf32>
    %reduce_max3A_10 = vector.multi_reduction <maximumf>, %reduce_max3A, %reduce_max3A_9 [1, 2] : vector<1x1x4096xf32> to vector<1xf32>
    %reduce_max3A_11 = vector.shape_cast %reduce_max3A_10 : vector<1xf32> to vector<1x1x1xf32>
    %reduce_max3A_12 = vector.extract %reduce_max3A_11[0, 0, 0] : f32 from vector<1x1x1xf32>
    %sub3A = vector.broadcast %reduce_min3A_8 : f32 to vector<1x4096xf32>
    %sub3A_13 = arith.subf %get3A_1, %sub3A : vector<1x4096xf32>
    %sub3A_14 = arith.subf %reduce_max3A_12, %reduce_min3A_8 : f32
    %div3A = vector.broadcast %sub3A_14 : f32 to vector<1x4096xf32>
    %div3A_15 = arith.divf %sub3A_13, %div3A : vector<1x4096xf32>
    %add3A = arith.addf %div3A_15, %get3A_4 : vector<1x4096xf32>
    %reduce_min3A_16 = vector.shape_cast %add3A : vector<1x4096xf32> to vector<1x1x4096xf32>
    %reduce_min3A_17 = arith.constant dense<0x7F800000> : vector<1xf32>
    %reduce_min3A_18 = vector.multi_reduction <minimumf>, %reduce_min3A_16, %reduce_min3A_17 [1, 2] : vector<1x1x4096xf32> to vector<1xf32>
    %reduce_min3A_19 = vector.shape_cast %reduce_min3A_18 : vector<1xf32> to vector<1x1x1xf32>
    %reduce_min3A_20 = vector.extract %reduce_min3A_19[0, 0, 0] : f32 from vector<1x1x1xf32>
    %reduce_max3A_21 = vector.shape_cast %add3A : vector<1x4096xf32> to vector<1x1x4096xf32>
    %reduce_max3A_22 = arith.constant dense<0xFF800000> : vector<1xf32>
    %reduce_max3A_23 = vector.multi_reduction <maximumf>, %reduce_max3A_21, %reduce_max3A_22 [1, 2] : vector<1x1x4096xf32> to vector<1xf32>
    %reduce_max3A_24 = vector.shape_cast %reduce_max3A_23 : vector<1xf32> to vector<1x1x1xf32>
    %reduce_max3A_25 = vector.extract %reduce_max3A_24[0, 0, 0] : f32 from vector<1x1x1xf32>
    %sub3A_26 = vector.broadcast %reduce_min3A_20 : f32 to vector<1x4096xf32>
    %sub3A_27 = arith.subf %add3A, %sub3A_26 : vector<1x4096xf32>
    %sub3A_28 = arith.subf %reduce_max3A_25, %reduce_min3A_20 : f32
    %div3A_29 = vector.broadcast %sub3A_28 : f32 to vector<1x4096xf32>
    %div3A_30 = arith.divf %sub3A_27, %div3A_29 : vector<1x4096xf32>
    %mul3A = arith.constant 5.000000e+00 : f32
    %mul3A_31 = vector.broadcast %mul3A : f32 to vector<1x4096xf32>
    %mul3A_32 = arith.mulf %div3A_30, %mul3A_31 : vector<1x4096xf32>
    %mul3A_33 = arith.constant 512 : i32
    %mul3A_34 = arith.muli %arg0, %mul3A_33 : i32
    %get3A_35 = arith.constant 0 : index
    %get3A_36 = arith.index_cast %mul3A_34 : i32 to index
    %get3A_37 = vector.load %arg1[%get3A_35, %get3A_36] : memref<2x4096xf32, #tpu.memory_space<vmem>>, vector<1x512xf32>
    %mul3A_38 = arith.constant 512 : i32
    %mul3A_39 = arith.muli %arg0, %mul3A_38 : i32
    %get3A_40 = arith.constant 1 : index
    %get3A_41 = arith.index_cast %mul3A_39 : i32 to index
    %get3A_42 = vector.load %arg1[%get3A_40, %get3A_41] : memref<2x4096xf32, #tpu.memory_space<vmem>>, vector<1x512xf32>
    %sub3A_43 = vector.broadcast %reduce_min3A_8 : f32 to vector<1x512xf32>
    %sub3A_44 = arith.subf %get3A_37, %sub3A_43 : vector<1x512xf32>
    %sub3A_45 = arith.subf %reduce_max3A_12, %reduce_min3A_8 : f32
    %div3A_46 = vector.broadcast %sub3A_45 : f32 to vector<1x512xf32>
    %div3A_47 = arith.divf %sub3A_44, %div3A_46 : vector<1x512xf32>
    %add3A_48 = arith.addf %div3A_47, %get3A_42 : vector<1x512xf32>
    %reshape3A = vector.shape_cast %add3A_48 : vector<1x512xf32> to vector<512x1xf32>
    %sub3A_49 = vector.broadcast %reduce_min3A_20 : f32 to vector<512x1xf32>
    %sub3A_50 = arith.subf %reshape3A, %sub3A_49 : vector<512x1xf32>
    %sub3A_51 = arith.subf %reduce_max3A_25, %reduce_min3A_20 : f32
    %div3A_52 = vector.broadcast %sub3A_51 : f32 to vector<512x1xf32>
    %div3A_53 = arith.divf %sub3A_50, %div3A_52 : vector<512x1xf32>
    %mul3A_54 = arith.constant 5.000000e+00 : f32
    %mul3A_55 = vector.broadcast %mul3A_54 : f32 to vector<512x1xf32>
    %mul3A_56 = arith.mulf %div3A_53, %mul3A_55 : vector<512x1xf32>
    %sub3A_57 = vector.broadcast %mul3A_56 : vector<512x1xf32> to vector<512x4096xf32>
    %sub3A_58 = vector.broadcast %mul3A_32 : vector<1x4096xf32> to vector<512x4096xf32>
    %sub3A_59 = arith.subf %sub3A_57, %sub3A_58 : vector<512x4096xf32>
    %tanh3A = math.tanh %sub3A_59 : vector<512x4096xf32>
    %reduce_sum3A = arith.constant dense<0.000000e+00> : vector<512xf32>
    %reduce_sum3A_60 = vector.multi_reduction <add>, %tanh3A, %reduce_sum3A [1] : vector<512x4096xf32> to vector<512xf32>
    %broadcast_in_dim3A = vector.shape_cast %reduce_sum3A_60 : vector<512xf32> to vector<512x1xf32>
    %mul3A_61 = arith.constant 5.000000e-01 : f32
    %mul3A_62 = vector.broadcast %mul3A_61 : f32 to vector<512x1xf32>
    %mul3A_63 = arith.mulf %mul3A_62, %broadcast_in_dim3A : vector<512x1xf32>
    %add3A_64 = arith.constant 2.048500e+03 : f32
    %add3A_65 = vector.broadcast %add3A_64 : f32 to vector<512x1xf32>
    %add3A_66 = arith.addf %mul3A_63, %add3A_65 : vector<512x1xf32>
    %swap3A = arith.constant 0 : index
    %swap3A_67 = arith.constant 0 : index
    %swap3A_68 = vector.load %arg2[%swap3A, %swap3A_67] : memref<512x1xf32, #tpu.memory_space<vmem>>, vector<512x1xf32>
    tpu.vector_store %arg2[%swap3A, %swap3A_67], %add3A_66 {strides = array<i32>} : memref<512x1xf32, #tpu.memory_space<vmem>>, vector<512x1xf32>,
    %iota3A = tpu.iota {dimensions = array<i32: 1>} : vector<512x4096xi32>
    %mul3A_69 = arith.constant 512 : i32
    %mul3A_70 = arith.muli %arg0, %mul3A_69 : i32
    %iota3A_71 = tpu.iota {dimensions = array<i32: 0>} : vector<512x1xi32>
    %add3A_72 = vector.broadcast %mul3A_70 : i32 to vector<512x1xi32>
    %add3A_73 = arith.addi %add3A_72, %iota3A_71 : vector<512x1xi32>
    %lt3A = vector.broadcast %add3A : vector<1x4096xf32> to vector<512x4096xf32>
    %lt3A_74 = vector.broadcast %reshape3A : vector<512x1xf32> to vector<512x4096xf32>
    %lt3A_75 = arith.cmpf olt, %lt3A, %lt3A_74 : vector<512x4096xf32>
    %eq3A = vector.broadcast %add3A : vector<1x4096xf32> to vector<512x4096xf32>
    %eq3A_76 = vector.broadcast %reshape3A : vector<512x1xf32> to vector<512x4096xf32>
    %eq3A_77 = arith.cmpf oeq, %eq3A, %eq3A_76 : vector<512x4096xf32>
    %lt3A_78 = vector.broadcast %add3A_73 : vector<512x1xi32> to vector<512x4096xi32>
    %lt3A_79 = arith.cmpi slt, %iota3A, %lt3A_78 : vector<512x4096xi32>
    %and3A = arith.andi %eq3A_77, %lt3A_79 : vector<512x4096xi1>
    %or3A = arith.ori %lt3A_75, %and3A : vector<512x4096xi1>
    %convert_element_type3A = arith.extui %or3A : vector<512x4096xi1> to vector<512x4096xi32>
    %reduce_sum3A_80 = arith.constant dense<0> : vector<512xi32>
    %reduce_sum3A_81 = vector.multi_reduction <add>, %convert_element_type3A, %reduce_sum3A_80 [1] : vector<512x4096xi32> to vector<512xi32>
    %broadcast_in_dim3A_82 = vector.shape_cast %reduce_sum3A_81 : vector<512xi32> to vector<512x1xi32>
    %jit3A = arith.constant 64 : i32
    %div3A_83 = vector.broadcast %jit3A : i32 to vector<512x1xi32>
    %div3A_84 = arith.divsi %broadcast_in_dim3A_82, %div3A_83 : vector<512x1xi32>
    %sign3A = arith.constant 0 : i32
    %sign3A_85 = vector.broadcast %sign3A : i32 to vector<512x1xi32>
    %sign3A_86 = arith.cmpi sgt, %broadcast_in_dim3A_82, %sign3A_85 : vector<512x1xi32>
    %sign3A_87 = arith.extui %sign3A_86 : vector<512x1xi1> to vector<512x1xi32>
    %sign3A_88 = arith.constant 0 : i32
    %sign3A_89 = vector.broadcast %sign3A_88 : i32 to vector<512x1xi32>
    %sign3A_90 = arith.cmpi slt, %broadcast_in_dim3A_82, %sign3A_89 : vector<512x1xi32>
    %sign3A_91 = arith.extui %sign3A_90 : vector<512x1xi1> to vector<512x1xi32>
    %sign3A_92 = arith.subi %sign3A_87, %sign3A_91 : vector<512x1xi32>
    %sign3A_93 = arith.constant 0 : i32
    %sign3A_94 = arith.cmpi sgt, %jit3A, %sign3A_93 : i32
    %sign3A_95 = arith.extui %sign3A_94 : i1 to i32
    %sign3A_96 = arith.constant 0 : i32
    %sign3A_97 = arith.cmpi slt, %jit3A, %sign3A_96 : i32
    %sign3A_98 = arith.extui %sign3A_97 : i1 to i32
    %sign3A_99 = arith.subi %sign3A_95, %sign3A_98 : i32
    %ne3A = vector.broadcast %sign3A_99 : i32 to vector<512x1xi32>
    %ne3A_100 = arith.cmpi ne, %sign3A_92, %ne3A : vector<512x1xi32>
    %rem3A = vector.broadcast %jit3A : i32 to vector<512x1xi32>
    %rem3A_101 = arith.remsi %broadcast_in_dim3A_82, %rem3A : vector<512x1xi32>
    %ne3A_102 = arith.constant 0 : i32
    %ne3A_103 = vector.broadcast %ne3A_102 : i32 to vector<512x1xi32>
    %ne3A_104 = arith.cmpi ne, %rem3A_101, %ne3A_103 : vector<512x1xi32>
    %and3A_105 = arith.andi %ne3A_100, %ne3A_104 : vector<512x1xi1>
    %sub3A_106 = arith.constant 1 : i32
    %sub3A_107 = vector.broadcast %sub3A_106 : i32 to vector<512x1xi32>
    %sub3A_108 = arith.subi %div3A_84, %sub3A_107 : vector<512x1xi32>
    %select_n3A = arith.select %and3A_105, %sub3A_108, %div3A_84 : vector<512x1xi1>, vector<512x1xi32>
    %add3A_109 = arith.constant 1 : i32
    %add3A_110 = vector.broadcast %add3A_109 : i32 to vector<512x1xi32>
    %add3A_111 = arith.addi %select_n3A, %add3A_110 : vector<512x1xi32>
    %swap3A_112 = arith.constant 0 : index
    %swap3A_113 = arith.constant 0 : index
    %swap3A_114 = vector.load %arg3[%swap3A_112, %swap3A_113] : memref<512x1xi32, #tpu.memory_space<vmem>>, vector<512x1xi32>
    tpu.vector_store %arg3[%swap3A_112, %swap3A_113], %add3A_111 {strides = array<i32>} : memref<512x1xi32, #tpu.memory_space<vmem>>, vector<512x1xi32>,
    %swap3A_115 = arith.constant 0 : index
    %swap3A_116 = arith.constant 0 : index
    %swap3A_117 = vector.load %arg4[%swap3A_115, %swap3A_116] : memref<512x1xf32, #tpu.memory_space<vmem>>, vector<512x1xf32>
    tpu.vector_store %arg4[%swap3A_115, %swap3A_116], %reshape3A {strides = array<i32>} : memref<512x1xf32, #tpu.memory_space<vmem>>, vector<512x1xf32>,
    return
  }
  func.func @transform_0(%arg0: i32) -> (i32, i32) {
    %c0_i32 = arith.constant 0 : i32
    %c0_i32_0 = arith.constant 0 : i32
    %c0_i32_1 = arith.constant 0 : i32
    return %c0_i32, %c0_i32_0 : i32, i32
  }
  func.func @transform_1(%arg0: i32) -> (i32, i32) {
    %c0_i32 = arith.constant 0 : i32
    %c0_i32_0 = arith.constant 0 : i32
    return %arg0, %c0_i32 : i32, i32
  }
  func.func @transform_2(%arg0: i32) -> (i32, i32) {
    %c0_i32 = arith.constant 0 : i32
    %c0_i32_0 = arith.constant 0 : i32
    return %arg0, %c0_i32 : i32, i32
  }
  func.func @transform_3(%arg0: i32) -> (i32, i32) {
    %c0_i32 = arith.constant 0 : i32
    %c0_i32_0 = arith.constant 0 : i32
    return %arg0, %c0_i32 : i32, i32
  }
}

module attributes {stable_mosaic.version = 14 : i64} {
  func.func @_centers_g_body(%arg0: memref<4096x512xf32, #tpu.memory_space<vmem>>, %arg1: memref<1x4096xi32, #tpu.memory_space<vmem>>, %arg2: memref<4096x128xf32, #tpu.memory_space<vmem>>) attributes {dimension_semantics = [], scalar_prefetch = 0 : i64, scratch_operands = 0 : i64, tpu.core_type = #tpu.core_type<tc>} {
    %get3A = arith.constant 0 : index
    %get3A_0 = arith.constant 0 : index
    %get3A_1 = vector.load %arg0[%get3A, %get3A_0] : memref<4096x512xf32, #tpu.memory_space<vmem>>, vector<4096x512xf32>
    %get3A_2 = arith.constant 0 : index
    %get3A_3 = arith.constant 0 : index
    %get3A_4 = vector.load %arg1[%get3A_2, %get3A_3] : memref<1x4096xi32, #tpu.memory_space<vmem>>, vector<1x4096xi32>
    %iota3A = tpu.iota {dimensions = array<i32: 0>} : vector<64x4096xi32>
    %eq3A = vector.broadcast %get3A_4 : vector<1x4096xi32> to vector<64x4096xi32>
    %eq3A_5 = arith.cmpi eq, %eq3A, %iota3A : vector<64x4096xi32>
    %convert_element_type3A = arith.extui %eq3A_5 : vector<64x4096xi1> to vector<64x4096xi32>
    %convert_element_type3A_6 = arith.sitofp %convert_element_type3A : vector<64x4096xi32> to vector<64x4096xf32>
    %dot_general3A = arith.constant dense<0.000000e+00> : vector<64x512xf32>
    %dot_general3A_7 = tpu.matmul %convert_element_type3A_6, %get3A_1, %dot_general3A {dimension_numbers = #tpu.dot_dimension_numbers<[1], [0], [0], [1], [0, 0, 1, 1], [], []>, transpose_lhs_hint = false} : vector<64x4096xf32>, vector<4096x512xf32>, vector<64x512xf32> -> vector<64x512xf32>
    %reduce_sum3A = arith.constant dense<0.000000e+00> : vector<64xf32>
    %reduce_sum3A_8 = vector.multi_reduction <add>, %convert_element_type3A_6, %reduce_sum3A [1] : vector<64x4096xf32> to vector<64xf32>
    %broadcast_in_dim3A = vector.shape_cast %reduce_sum3A_8 : vector<64xf32> to vector<64x1xf32>
    %max3A = arith.constant 1.000000e+00 : f32
    %max3A_9 = vector.broadcast %max3A : f32 to vector<64x1xf32>
    %max3A_10 = arith.maximumf %broadcast_in_dim3A, %max3A_9 : vector<64x1xf32>
    %div3A = vector.broadcast %max3A_10 : vector<64x1xf32> to vector<64x512xf32>
    %div3A_11 = arith.divf %dot_general3A_7, %div3A : vector<64x512xf32>
    %dot_general3A_12 = arith.constant dense<0.000000e+00> : vector<4096x64xf32>
    %dot_general3A_13 = tpu.matmul %get3A_1, %div3A_11, %dot_general3A_12 {dimension_numbers = #tpu.dot_dimension_numbers<[1], [1], [0], [0], [0, 0, 1, 0], [], []>, transpose_lhs_hint = false} : vector<4096x512xf32>, vector<64x512xf32>, vector<4096x64xf32> -> vector<4096x64xf32>
    %mul3A = arith.mulf %get3A_1, %get3A_1 : vector<4096x512xf32>
    %reduce_sum3A_14 = arith.constant dense<0.000000e+00> : vector<4096xf32>
    %reduce_sum3A_15 = vector.multi_reduction <add>, %mul3A, %reduce_sum3A_14 [1] : vector<4096x512xf32> to vector<4096xf32>
    %broadcast_in_dim3A_16 = vector.shape_cast %reduce_sum3A_15 : vector<4096xf32> to vector<4096x1xf32>
    %broadcast_in_dim3A_17 = arith.constant 1.000000e+00 : f32
    %broadcast_in_dim3A_18 = vector.broadcast %broadcast_in_dim3A_17 : f32 to vector<1x512xf32>
    %mul3A_19 = arith.mulf %div3A_11, %div3A_11 : vector<64x512xf32>
    %dot_general3A_20 = arith.constant dense<0.000000e+00> : vector<1x64xf32>
    %dot_general3A_21 = tpu.matmul %broadcast_in_dim3A_18, %mul3A_19, %dot_general3A_20 {dimension_numbers = #tpu.dot_dimension_numbers<[1], [1], [0], [0], [0, 0, 1, 0], [], []>, precision = #tpu.contract_precision<fp32>, transpose_lhs_hint = false} : vector<1x512xf32>, vector<64x512xf32>, vector<1x64xf32> -> vector<1x64xf32>
    %mul3A_22 = arith.constant 2.000000e+00 : f32
    %mul3A_23 = vector.broadcast %mul3A_22 : f32 to vector<4096x64xf32>
    %mul3A_24 = arith.mulf %mul3A_23, %dot_general3A_13 : vector<4096x64xf32>
    %sub3A = vector.broadcast %broadcast_in_dim3A_16 : vector<4096x1xf32> to vector<4096x64xf32>
    %sub3A_25 = arith.subf %sub3A, %mul3A_24 : vector<4096x64xf32>
    %add3A = vector.broadcast %dot_general3A_21 : vector<1x64xf32> to vector<4096x64xf32>
    %add3A_26 = arith.addf %sub3A_25, %add3A : vector<4096x64xf32>
    %broadcast_in_dim3A_27 = arith.constant 0.000000e+00 : f32
    %broadcast_in_dim3A_28 = vector.broadcast %broadcast_in_dim3A_27 : f32 to vector<4096x64xf32>
    %concatenate3A = tpu.concatenate %add3A_26, %broadcast_in_dim3A_28 in 1 : vector<4096x64xf32>, vector<4096x64xf32> -> vector<4096x128xf32>
    %swap3A = arith.constant 0 : index
    %swap3A_29 = arith.constant 0 : index
    %swap3A_30 = vector.load %arg2[%swap3A, %swap3A_29] : memref<4096x128xf32, #tpu.memory_space<vmem>>, vector<4096x128xf32>
    tpu.vector_store %arg2[%swap3A, %swap3A_29], %concatenate3A {strides = array<i32>} : memref<4096x128xf32, #tpu.memory_space<vmem>>, vector<4096x128xf32>,
    return
  }
}

</mosaic_0001>

<sc_bundles>
// kernel: kernel.5.cloned.1.call-start
scs
__scs_entry_jumppad:
0x0: {  	(pc) =	sbr.rel $0x88, $3  }
0x1: {  	(tag) =	ssettag $0x0;
	lr =	simm.s32 $0x1  }
0x2: {  	[smem:$0x3F9F] =	sst lr;
	_ =	strace $0xD0000000  }
0x3: {  	_ = 	snop  }
0x4: {  	_ = 	snop  }
0x5: {  	_ = 	snop  }
0x6: {  	_ = 	snop  }
0x7: {  	_ = 	snop  }
__scs_overlays_trampoline_lowered:
0x8: {  	[smem:$0x3FAE] =	sst s0  }
0x9: {  	[smem:$0x3FAF] =	sst s1  }
0xa: {  	[smem:$0x3FB0] =	sst s2  }
0xb: {  	[smem:$0x3FB1] =	sst s3  }
0xc: {  	[smem:$0x3FB2] =	sst s4  }
0xd: {  	[smem:$0x3FB3] =	sst s5  }
0xe: {  	[smem:$0x3FB4] =	sst s6  }
0xf: {  	[smem:$0x3FB5] =	sst s7  }
0x10: {  	[smem:$0x3FB6] =	sst s8  }
0x11: {  	[smem:$0x3FB7] =	sst s9;
	s0 =	simm.s32 @!p0 $0x0  }
0x12: {  	s1 =	sld [smem:$0x3F9D];
	s0 =	simm.s32 @p0 $0x1  }
0x13: {  	[smem:$0x3FB8] =	sst s0;
	s0 =	simm.s32 @!p1 $0x0  }
0x14: {  	s2 =	sld [smem:$0x3F9C];
	s0 =	simm.s32 @p1 $0x1  }
0x15: {  	[smem:$0x3FB9] =	sst s0;
	s0 =	simm.s32 @!p2 $0x0  }
0x16: {  	s3 =	sld [smem:$0x3FDB];
	s0 =	simm.s32 @p2 $0x1  }
0x17: {  	s4 =	simm.s32 $0x1BF5;
	[smem:$0x3FBB] =	sst s0  }
0x18: {  	s0 =	sld [smem:$0x3F9E];
	_ =	swait.ge [sflag:s4], $0x0  }
0x19: {  	s7 =	sld [smem:$0x3F9F]  }
0x1a: {  	s8 =	sadd.s32 $0xFFFFE003, lr  }
0x1b: {  	s9 =	sadd.s32 $0xFFFFFEF7, lr;
	s5 =	simm.s32 $0xFFFFFFFF;
	p2 =	slt.u32 s8, $0xFFFFF086  }
0x1c: {  	p1 =	slt.u32 s9, $0xF7A;
	s5 =	simm.s32 @!p2 $0x0  }
0x1d: {  	s5 =	simm.s32 @p1 $0x1;
	p0 =	seq.s32 s7, s2  }
0x1e: {  	s7 =	smul.u32 @!p0 $0xF7A, s2;
	p2 =	seq.s32 @!p0 s5, $0x0  }
0x1f: {  	s9 =	smul.u32 $0xF7A, s1;
	s8 =	simm.s32 @!p0 $0x1BF5;
	p2 =	por !p2, p0  }
0x20: {  	[sflag:s8] =	ssyncset.s32 @!p0 $0xFFFFF086;
	s6 =	sadd.s32 @!p0 s3, s7;
	s7 =	simm.s32 @!p0 $0x108  }
0x21: {  	s3 =	sadd.s32 s3, s9;
	s6 =	sadd.s32 @!p0 $0x88, s6;
	s7 =	simm.s32 @p2 $0x1082  }
0x22: {  	[simem:s7], [sflag:s8] =	dma.local @!p0 [hbm:s6], $0xF7A  }
0x23: {  	s9 =	sor.u32 $0xD0000000, s2;
	s6 =	simm.s32 $0x108;
	_ =	swait.ge @!p0 [sflag:s8], $0x0  }
0x24: {  	s3 =	sadd.s32 $0x88, s3;
	s6 =	simm.s32 @!p1 $0x1082;
	[sflag:s4] =	ssyncset.s32 $0xFFFFF086  }
0x25: {  	[simem:s6], [sflag:s4] =	dma.local [hbm:s3], $0xF7A  }
0x26: {  	[smem:$0x3F9F] =	sst s1;
	(tag) =	ssettag s2;
	_ =	strace s9  }
0x27: {  	s1 =	sld [smem:$0x3FAF]  }
0x28: {  	s2 =	sld [smem:$0x3FB0]  }
0x29: {  	s4 =	sld [smem:$0x3FB2]  }
0x2a: {  	p0 =	seq.s32 s5, $0x0;
	s5 =	sld [smem:$0x3FB3]  }
0x2b: {  	s6 =	sld [smem:$0x3FB4]  }
0x2c: {  	s7 =	sld [smem:$0x3FB5]  }
0x2d: {  	s3 =	simm.s32 $0x108;
	s8 =	sld [smem:$0x3FB6]  }
0x2e: {  	s3 =	simm.s32 @!p0 $0x1082;
	s9 =	sld [smem:$0x3FB7]  }
0x2f: {  	lr =	sadd.s32 s0, s3;
	s0 =	sld [smem:$0x3FAE]  }
0x30: {  	s3 =	sld [smem:$0x3FB1]  }
0x31: {  	[smem:$0x3FBA] =	sst s10  }
0x32: {  	s10 =	sld [smem:$0x3FB8];
	_ =	sdelay $0x3  }
0x33: {  	p0 =	seq.s32 s10, $0x1;
	s10 =	sld [smem:$0x3FBA];
	_ =	sdelay $0x3  }
0x34: {  	[smem:$0x3FBA] =	sst s10  }
0x35: {  	s10 =	sld [smem:$0x3FB9];
	_ =	sdelay $0x3  }
0x36: {  	p1 =	seq.s32 s10, $0x1;
	s10 =	sld [smem:$0x3FBA];
	_ =	sdelay $0x3  }
0x37: {  	[smem:$0x3FBA] =	sst s10  }
0x38: {  	s10 =	sld [smem:$0x3FBB]  }
0x39: {  	_ = 	snop;
	(pc) =	sbr.ind lr, $3  }
0x3a: {  	_ = 	snop  }
0x3b: {  	_ = 	snop  }
0x3c: {  	p2 =	seq.s32 s10, $0x1;
	s10 =	sld [smem:$0x3FBA]  }
0x3d: {  	_ =	shalt  }
0x3e: {  	_ =	shalt  }
0x3f: {  	_ =	shalt  }
0x40: {  	_ =	shalt  }
0x41: {  	_ =	shalt  }
0x42: {  	_ =	shalt  }
0x43: {  	_ =	shalt  }
0x44: {  	_ =	shalt  }
0x45: {  	_ =	shalt  }
0x46: {  	_ =	shalt  }
0x47: {  	_ =	shalt  }
0x48: {  	_ =	shalt  }
0x49: {  	_ =	shalt  }
0x4a: {  	_ =	shalt  }
0x4b: {  	_ =	shalt  }
0x4c: {  	_ =	shalt  }
0x4d: {  	_ =	shalt  }
0x4e: {  	_ =	shalt  }
0x4f: {  	_ =	shalt  }
0x50: {  	_ =	shalt  }
0x51: {  	_ =	shalt  }
0x52: {  	_ =	shalt  }
0x53: {  	_ =	shalt  }
0x54: {  	_ =	shalt  }
0x55: {  	_ =	shalt  }
0x56: {  	_ =	shalt  }
0x57: {  	_ =	shalt  }
0x58: {  	_ =	shalt  }
0x59: {  	_ =	shalt  }
0x5a: {  	_ =	shalt  }
0x5b: {  	_ =	shalt  }
0x5c: {  	_ =	shalt  }
0x5d: {  	_ =	shalt  }
0x5e: {  	_ =	shalt  }
0x5f: {  	_ =	shalt  }
0x60: {  	_ =	shalt  }
0x61: {  	_ =	shalt  }
0x62: {  	_ =	shalt  }
0x63: {  	_ =	shalt  }
0x64: {  	_ =	shalt  }
0x65: {  	_ =	shalt  }
0x66: {  	_ =	shalt  }
0x67: {  	_ =	shalt  }
0x68: {  	_ =	shalt  }
0x69: {  	_ =	shalt  }
0x6a: {  	_ =	shalt  }
0x6b: {  	_ =	shalt  }
0x6c: {  	_ =	shalt  }
0x6d: {  	_ =	shalt  }
0x6e: {  	_ =	shalt  }
0x6f: {  	_ =	shalt  }
0x70: {  	_ =	shalt  }
0x71: {  	_ =	shalt  }
0x72: {  	_ =	shalt  }
0x73: {  	_ =	shalt  }
0x74: {  	_ =	shalt  }
0x75: {  	_ =	shalt  }
0x76: {  	_ =	shalt  }
0x77: {  	_ =	shalt  }
0x78: {  	_ =	shalt  }
0x79: {  	_ =	shalt  }
0x7a: {  	_ =	shalt  }
0x7b: {  	_ =	shalt  }
0x7c: {  	_ =	shalt  }
0x7d: {  	_ =	shalt  }
0x7e: {  	_ =	shalt  }
0x7f: {  	_ =	shalt  }
0x80: {  	_ =	shalt  }
0x81: {  	_ =	shalt  }
0x82: {  	_ =	shalt  }
0x83: {  	_ =	shalt  }
0x84: {  	_ =	shalt  }
0x85: {  	_ =	shalt  }
0x86: {  	_ =	shalt  }
0x87: {  	_ =	shalt  }
.Lfunc_end0:
.L_simem_size_0:
called_computation_lowered:
.L_overlay_start_0:
0x88: {  	s2 =	sld [smem:$0x3FD9]  }
0x89: {  	s3 =	sld [smem:$0x3FFE];
	_ =	sdelay $0x1  }
0x8a: {  	s1 =	srdreg.scid  }
0x8b: {  	s0 =	sand.u32 $0x1, s1  }
0x8c: {  	s17 =	sshll.u32 s0, $0xA;
	s2 =	sadd.s32 s3, s2  }
0x8d: {  	s2 =	sadd.s32 s2, s17  }
0x8e: {  	[smem:$0x3FC6] =	sst s2  }
0x8f: {  	_ = 	snop  }
0x90: {  	s2 =	sld [smem:$0x3FC8];
	(tm) =	ssettm $0x1  }
0x91: {  	s18 =	sld [smem:$0x3FFB];
	_ =	sdelay $0x3  }
0x92: {  	_ =	strace s18  }
0x93: {  	s3 =	sld [smem:$0x3FFC];
	_ =	sdelay $0x3  }
0x94: {  	_ =	strace s3  }
0x95: {  	s3 =	sld [smem:$0x3FFD];
	_ =	sdelay $0x3  }
0x96: {  	_ =	strace s3  }
0x97: {  	_ =	strace $0x8FFFFFFF  }
0x98: {  	s19 =	sld [smem:$0x3FDB];
	_ =	sdelay $0x1  }
0x99: {  	s4 =	simm.s32 $_scs_section_size  }
0x9a: {  	s5 =	simm.s32 $_size__tile_overlayer_lowered;
	s6 =	simm.s32 $_tile_overlayer_lowered  }
0x9b: {  	s22 =	simm.s32 $0x1BFF;
	s21 =	sshll.u32 s6, $0x1;
	s3 =	sadd.s32 s4, s19  }
0x9c: {  	s7 =	simm.s32 $0x0;
	s20 =	sshll.u32 s5, $0x1;
	s5 =	sadd.s32 s21, s3  }
0x9d: {  	[timem:s7], [sflag:s22] =	dma.local [hbm:s5], s20  }
0x9e: {  	_ =	swait.ge [sflag:s22], s20  }
0x9f: {  	s4 =	ssub.s32 $0x0, s20;
	[sflag:s22] =	ssyncset.done $0x0  }
0xa0: {  	[sflag:s22] =	ssyncadd.s32 s4;
	_ =	sdelay $0x1  }
0xa1: {  	s23 =	simm.s32 $0x1B8B  }
0xa2: {  	_ =	swait.ge [sflag:s23], $0x1  }
0xa3: {  	[sflag:s23] =	ssyncset.done $0x0  }
0xa4: {  	s25 =	simm.s32 $0x1B8E;
	s24 =	sld [smem:$0x3FFE];
	[sflag:s23] =	ssyncadd.s32 $0xFFFFFFFF  }
0xa5: {  	s26 =	simm.s32 $execute0_lowered;
	[smem:$0x3FD2] =	sst s25  }
0xa6: {  	s5 =	sshll.u32 s26, $0x1;
	_ =	strace $0x80000046;
	[dreg:$0x1] =	wrdreg $0xFFFFFFFF  }
0xa7: {  	s28 =	simm.s32 $_size_execute0_lowered;
	s3 =	sadd.s32 s3, s5;
	[dreg:$0x0] =	wrdreg $0x0  }
0xa8: {  	s5 =	sshll.u32 s28, $0x1;
	[dreg:$0x2] =	wrdreg s3  }
0xa9: {  	[dreg:$0x3] =	wrdreg s5  }
0xaa: {  	[dreg:$0x4] =	wrdreg $0xC0  }
0xab: {  	_ =	task [dreg:s7], $0x5FFFF  }
0xac: {  	[dreg:$0x1] =	wrdreg $0xFFFFFFFF  }
0xad: {  	[dreg:$0x0] =	wrdreg $0x60  }
0xae: {  	[dreg:$0x2] =	wrdreg s24  }
0xaf: {  	[dreg:$0x3] =	wrdreg s2  }
0xb0: {  	[dreg:$0x4] =	wrdreg $0x9  }
0xb1: {  	_ =	task.clear_ibuf [dreg:s7], $0x5FFFF;
	_ =	strace $0x90000046  }
0xb2: {  	s29 =	simm.s32 $0x9;
	_ =	strace $0x80000048  }
0xb3: {  	_ =	swait.ge [sflag:s29], $0x1  }
0xb4: {  	[sflag:s29] =	ssyncadd.s32 $0xFFFFFFFF  }
0xb5: {  	_ =	strace $0x90000048  }
0xb6: {  	_ =	sfence  }
0xb7: {  	s30 =	sld [smem:$0x0];
	_ =	sdelay $0x2  }
0xb8: {  	s31 =	sshll.u32 s1, $0xD;
	s1 =	sshrl.u32 s1, $0x2  }
0xb9: {  	s3 =	sand.u32 $0x4000, s31;
	s1 =	sadd.s32 s1, s30  }
0xba: {  	s0 =	sor.u32 s3, s0;
	s1 =	sshll.u32 s1, $0x11  }
0xbb: {  	s0 =	sor.u32 s1, s0  }
0xbc: {  	s0 =	sadd.s32 $0x8F2B, s0  }
0xbd: {  	[sflag:s0] =	ssyncadd.remote.s32 $0x1  }
0xbe: {  	_ =	sfence.sel $0xFFFF  }
0xbf: {  	[dreg:$0x0] =	wrdreg $0xFFFFFFFF;
	(pc) =	sbr.abs _section_cstart, $3  }
0xc0: {  	[dreg:$0x1] =	wrdreg $0xFFFFFFFF  }
0xc1: {  	_ =	task.clear_ibuf [dreg:s7], $0x2FFFF;
	_ =	strace $0x9FFFFFFF  }
0xc2: {  	(tm) =	ssettm $0x7FFFFFFF  }
0xc3: {  	_ =	shalt  }
tec
execute0_lowered:
.L_overlay_start_1:
0x0: {  	(tag) =	ssettag $0x1  }
0x1: {  	s3 =	rddreg [dreg:$0x0]  }
0x2: {  	s1 =	srdreg.scid;
	s0 =	stileid.u32  }
0x3: {  	s4 =	rddreg [dreg:$0x1];
	s7 =	sand.u32 $0x1, s1;
	s5 =	sshll.u32 s0, $0x1  }
0x4: {  	s2 =	simm.s32 $0x0;
	s1 =	rddreg [dreg:$0x2];
	s6 =	sor.u32 s7, s5  }
0x5: {  	[smem:$0x7FF] =	sst s2;
	s5 =	sshll.u32 s6, $0x4  }
0x6: {  	_ =	strace $0x80000047;
	s5 =	sadd.s32 s4, s5;
	s4 =	simm.s32 $0x2  }
0x7: {  	[tilespmem:s2], [sflag:$0x2] =	stream.linear.gather [hbm4b:s5+s2], $0x80, $0x38;
	[tilespmem:$0x200] =	vst v63  }
0x8: {  	_ =	swait.ge [sflag:s4], $0x80  }
0x9: {  	[sflag:s4] =	ssyncset.done $0x0  }
0xa: {  	[sflag:s4] =	ssyncadd.s32 $0xFFFFFF80  }
0xb: {  	s8 =	sshll.u32 s6, $0x7;
	v1 =	vld [tilespmem:$0x70]  }
0xc: {  	v0 =	vlaneseq.u32;
	s9 =	sor.u32 $0x70, s8;
	v4 =	vld [tilespmem:$0x10]  }
0xd: {  	v7 =	vmul.u32 $0x80, v0;
	s26 =	sor.u32 $0x10, s8;
	v0 =	vmov s9  }
0xe: {  	v2 =	vmov s26;
	v0 =	vshll.u32 v0, $0x7;
	v3 =	vld [tilespmem:$0x50]  }
0xf: {  	s10 =	sor.u32 $0x50, s8;
	v2 =	vshll.u32 v2, $0x7;
	v0 =	vor.u32 v7, v0;
	v9 =	vld [tilespmem:$0x20]  }
0x10: {  	v5 =	vmov s10;
	v2 =	vor.u32 v7, v2;
	v6 =	vadd.s32 v0, v1  }
0x11: {  	v5 =	vshll.u32 v5, $0x7;
	v8 =	vcvt.s32.f32 v1;
	v12 =	vadd.s32 v2, v4;
	[tilespmem:$0xF0] =	vst v6  }
0x12: {  	v10 =	vld [tilespmem:$0x40];
	v1 =	vor.u32 v7, v5;
	[tilespmem:$0x90] =	vst v12  }
0x13: {  	s28 =	sor.u32 $0x20, s8;
	v11 =	vld [tilespmem:$0x0];
	v5 =	vmov s8;
	v4 =	vcvt.s32.f32 v4;
	v6 =	vadd.s32 v1, v3;
	[tilespmem:$0x1F0] =	vst v8  }
0x14: {  	s7 =	ssub.s32 $0x2, s7;
	s29 =	sor.u32 $0x40, s8;
	v14 =	vcvt.s32.f32 v3;
	v63 =	vcvt.s32.f32 v9;
	v8 =	vmov s28;
	[tilespmem:$0xD0] =	vst v6  }
0x15: {  	s31 =	sshrl.u32 s7, $0x1;
	s30 =	sor.u32 $0x60, s8;
	s8 =	sor.u32 $0x30, s8;
	v5 =	vshll.u32 v5, $0x7;
	[tilespmem:$0x190] =	vst v4;
	v6 =	vshll.u32 v8, $0x7;
	v8 =	vmov s29  }
0x16: {  	v60 =	vld [tilespmem:$0x30];
	v61 =	vmov s8;
	s8 =	ssub.s32 s7, s31;
	[tilespmem:$0x1D0] =	vst v14;
	v3 =	vor.u32 v7, v6;
	v6 =	vshll.u32 v8, $0x7  }
0x17: {  	v13 =	vld [tilespmem:$0x60];
	v5 =	vor.u32 v7, v5;
	s12 =	smax.u32 s8, $0x1;
	[tilespmem:$0x1A0] =	vst v63;
	v4 =	vor.u32 v7, v6;
	v8 =	vadd.s32 v3, v9  }
0x18: {  	v15 =	vadd.s32 v5, v11;
	p0 =	sne.s32 s12, $0x1;
	v6 =	vmov s30;
	[tilespmem:$0xA0] =	vst v8;
	v8 =	vadd.s32 v4, v10  }
.Ltmp0:
0x19: {  	v6 =	vshll.u32 v6, $0x7;
	v10 =	vcvt.s32.f32 v10;
	[tilespmem:$0xC0] =	vst v8;
	v8 =	vshll.u32 v61, $0x7;
	(pc) =	sbr.rel @!p0 .LBB2_2-.Ltmp0, $4  }
0x1a: {  	s6 =	sshll.u32 s6, $0x5;
	[tilespmem:$0x80] =	vst v15;
	v6 =	vor.u32 v7, v6;
	v7 =	vor.u32 v7, v8  }
0x1b: {  	s11 =	simm.s32 $0x1;
	s6 =	sadd.s32 s6, s3;
	[tilespmem:$0x1C0] =	vst v10;
	v9 =	vadd.s32 v7, v60  }
0x1c: {  	s10 =	simm.s32 $0x80;
	s9 =	simm.s32 $0x180;
	s7 =	sadd.s32 $0x10000, s6;
	v62 =	vadd.s32 v6, v13;
	[tilespmem:$0xB0] =	vst v9;
	v9 =	vcvt.s32.f32 v11  }
0x1d: {  	s6 =	sadd.s32 $0x10010, s6;
	s8 =	simm.s32 $0x100;
	s12 =	sadd.s32 $0xFFFFFFFF, s12;
	v8 =	vcvt.s32.f32 v13;
	v10 =	vcvt.s32.f32 v60;
	[tilespmem:$0xE0] =	vst v62  }
.LBB2_1:
0x1e: {  	p0 =	sne.s32 s12, $0x1;
	s12 =	sadd.s32 $0xFFFFFFFF, s12;
	[tilespmem:$0x180] =	vst v9  }
0x1f: {  	[tilespmem:$0x1E0] =	vst v8  }
0x20: {  	[tilespmem:$0x1B0] =	vst v10  }
0x21: {  	[tilespmem:s8], [sflag:$0x1] =	stream.indirect.gather [hbm4b:s3+s10], $0x1, s10, s10, $0xb8;
	[tilespmem:$0x200] =	vst v63  }
0x22: {  	_ =	swait.ge [sflag:s11], $0x80  }
0x23: {  	[sflag:s11] =	ssyncset.done $0x0  }
0x24: {  	[sflag:s11] =	ssyncadd.s32 $0xFFFFFF80  }
0x25: {  	[hbm4b:s7+s2] =	stream.linear.scatter [tilespmem:s8], [sflag:$0x2], $0x80, $0x38;
	[tilespmem:$0x200] =	vst v63  }
0x26: {  	_ =	swait.ge [sflag:s4], $0x80  }
0x27: {  	[sflag:s4] =	ssyncset.done $0x0  }
0x28: {  	[sflag:s4] =	ssyncadd.s32 $0xFFFFFF80  }
0x29: {  	[hbm4b:s6+s2] =	stream.linear.scatter [tilespmem:s9], [sflag:$0x2], $0x80, $0x38;
	[tilespmem:$0x200] =	vst v63  }
0x2a: {  	_ =	swait.ge [sflag:s4], $0x80  }
0x2b: {  	[sflag:s4] =	ssyncset.done $0x0  }
0x2c: {  	[sflag:s4] =	ssyncadd.s32 $0xFFFFFF80  }
0x2d: {  	[tilespmem:s2], [sflag:$0x2] =	stream.linear.gather [hbm4b:s5+s2], $0x80, $0x38;
	[tilespmem:$0x200] =	vst v63  }
0x2e: {  	_ =	swait.ge [sflag:s4], $0x80  }
0x2f: {  	[sflag:s4] =	ssyncset.done $0x0  }
0x30: {  	[sflag:s4] =	ssyncadd.s32 $0xFFFFFF80  }
0x31: {  	v8 =	vld [tilespmem:$0x70]  }
0x32: {  	v10 =	vld [tilespmem:$0x20]  }
0x33: {  	v9 =	vld [tilespmem:$0x50]  }
0x34: {  	v11 =	vld [tilespmem:$0x10]  }
0x35: {  	v12 =	vld [tilespmem:$0x60]  }
0x36: {  	v13 =	vld [tilespmem:$0x0];
	v14 =	vadd.s32 v0, v8;
	v8 =	vcvt.s32.f32 v8  }
0x37: {  	v15 =	vld [tilespmem:$0x30];
	[tilespmem:$0xF0] =	vst v14  }
0x38: {  	v14 =	vld [tilespmem:$0x40];
	v16 =	vadd.s32 v1, v9;
	v17 =	vcvt.s32.f32 v9;
	[tilespmem:$0x1F0] =	vst v8  }
0x39: {  	v8 =	vadd.s32 v2, v11;
	v11 =	vcvt.s32.f32 v11;
	[tilespmem:$0xD0] =	vst v16  }
0x3a: {  	[tilespmem:$0x90] =	vst v8;
	v16 =	vadd.s32 v6, v12;
	v8 =	vcvt.s32.f32 v12  }
0x3b: {  	v12 =	vcvt.s32.f32 v10;
	v9 =	vcvt.s32.f32 v13;
	[tilespmem:$0x190] =	vst v11;
	v11 =	vadd.s32 v3, v10  }
0x3c: {  	v13 =	vadd.s32 v5, v13;
	v18 =	vadd.s32 v7, v15;
	v10 =	vcvt.s32.f32 v15;
	[tilespmem:$0x1D0] =	vst v17  }
0x3d: {  	[tilespmem:$0xA0] =	vst v11;
	v11 =	vadd.s32 v4, v14;
	v14 =	vcvt.s32.f32 v14  }
0x3e: {  	[tilespmem:$0xC0] =	vst v11  }
.Ltmp1:
0x3f: {  	[tilespmem:$0x80] =	vst v13;
	(pc) =	sbr.rel @p0 .LBB2_1-.Ltmp1, $4  }
0x40: {  	[tilespmem:$0xE0] =	vst v16  }
0x41: {  	[tilespmem:$0x1C0] =	vst v14  }
0x42: {  	[tilespmem:$0xB0] =	vst v18  }
0x43: {  	[tilespmem:$0x1A0] =	vst v12  }
.LBB2_2:
0x44: {  	[tilespmem:$0x180] =	vst v9  }
0x45: {  	[tilespmem:$0x1E0] =	vst v8  }
0x46: {  	[tilespmem:$0x1B0] =	vst v10  }
0x47: {  	[tilespmem:s8], [sflag:$0x1] =	stream.indirect.gather [hbm4b:s3+s10], $0x1, s10, s10, $0xb8;
	[tilespmem:$0x200] =	vst v63  }
0x48: {  	_ =	swait.ge [sflag:s11], $0x80  }
0x49: {  	[sflag:s11] =	ssyncset.done $0x0  }
0x4a: {  	[sflag:s11] =	ssyncadd.s32 $0xFFFFFF80  }
0x4b: {  	[hbm4b:s7+s2] =	stream.linear.scatter [tilespmem:s8], [sflag:$0x2], $0x80, $0x38;
	[tilespmem:$0x200] =	vst v63  }
0x4c: {  	_ =	swait.ge [sflag:s4], $0x80  }
0x4d: {  	[sflag:s4] =	ssyncset.done $0x0  }
0x4e: {  	[sflag:s4] =	ssyncadd.s32 $0xFFFFFF80  }
0x4f: {  	[hbm4b:s6+s2] =	stream.linear.scatter [tilespmem:s9], [sflag:$0x2], $0x80, $0x38;
	[tilespmem:$0x200] =	vst v63  }
0x50: {  	_ =	swait.ge [sflag:s4], $0x80  }
0x51: {  	[sflag:s4] =	ssyncset.done $0x0  }
0x52: {  	[sflag:s4] =	ssyncadd.s32 $0xFFFFFF80  }
0x53: {  	_ =	sfence.sel $0x180000  }
0x54: {  	[bflag:$0x0] =	sbarrier.arrive $0xFFFF  }
0x55: {  	p0 =	sne.s32 s0, $0x0;
	_ =	strace $0x90000047  }
0x56: {  	s0 =	sadd.s32 @!p0 $0x100000, s1;
	[bflag:$0x2] =	sbarrier.arrive $0xFFFF  }
0x57: {  	[sflag:s0] =	ssyncadd.tile.s32 @!p0 $0x1;
	_ =	shalt  }
.Lfunc_end2:
_tile_overlayer_lowered:
.L_overlay_start_2:
0x58: {  	(tag) =	ssettag $0x2  }
0x59: {  	s0 =	rddreg [dreg:$0x0];
	s2 =	stileid.u32  }
0x5a: {  	s1 =	rddreg [dreg:$0x1];
	p0 =	sne.s32 s2, $0x0  }
0x5b: {  	s3 =	rddreg [dreg:$0x2];
	[bflag:$0x3] =	sbarrier.arrive $0xFFFF;
	s2 =	simm.s32 @!p0 $0x1C02  }
0x5c: {  	[timem:s3], [sflag:s2] =	dma.local @!p0 [hbm:s0], s1  }
0x5d: {  	s0 =	simm.s32 @!p0 $0x2  }
0x5e: {  	_ =	swait.ge @!p0 [sflag:s0], s1  }
0x5f: {  	s1 =	ssub.s32 @!p0 $0x0, s1;
	[sflag:s0] =	ssyncset.done @!p0 $0x0  }
0x60: {  	[sflag:s0] =	ssyncadd.s32 @!p0 s1  }
0x61: {  	[bflag:$0x3] =	sbarrier.arrive $0xFFFF  }
0x62: {  	_ =	shalt  }

</sc_bundles>
